<compile_context>
chip_gen: v7x
topology: tpu7x:2x2x1
jax: 0.10.2.dev20260603
libtpu: 0.0.44.dev20260713+nightly
codegen_flags: <defaults>
</compile_context>

<pallas_src>
import functools

import jax
import jax.numpy as jnp
from jax import lax
from jax.experimental import pallas as pl
from jax.experimental.pallas import tpu as pltpu
from jax.experimental.pallas import tpu_sc as plsc

V = 1000
VP = 1024
N_TOKENS = 4096 * 20
NC, NS, L = 2, 16, 16
NW = NC * NS
CHUNK = N_TOKENS // NW
GATHER = 128
N_GATHERS = CHUNK // GATHER
RB = 8


def _t2_body(tab_ref, out_ref):
    t = tab_ref[...]
    m = jnp.max(t, axis=1, keepdims=True)
    s = jnp.sum(jnp.exp(t - m), axis=1, keepdims=True)
    t2 = t - (jnp.log(s) + m)
    t2p = jnp.concatenate([t2, jnp.zeros((V, VP - V), jnp.float32)], axis=1)
    out_ref[...] = t2p.reshape(V * VP // 128, 128)


def _sc_body(avf, t2f, out, av, tv, accv, sht, sem_t, sem_s):
    wid = lax.axis_index("c") * NS + lax.axis_index("s")
    sid = lax.axis_index("s")
    base = wid * CHUNK

    QTR = V * VP // 4

    @pl.when(sid < 4)
    def _():
        q = pl.ds(sid * QTR, QTR)
        pltpu.make_async_copy(t2f.at[q], sht.at[q], sem_s).start()

    pltpu.sync_copy(avf.at[pl.ds(base, CHUNK)], av)

    @pl.when(sid < 4)
    def _():
        q = pl.ds(sid * QTR, QTR)
        pltpu.make_async_copy(t2f.at[q], sht.at[q], sem_s).wait()

    plsc.subcore_barrier()

    def fire(c, carry):
        sl = pl.ds(c * GATHER, GATHER)
        pltpu.make_async_copy(sht.at[av.at[sl]], tv.at[sl], sem_t).start()
        return carry

    lax.fori_loop(0, N_GATHERS, fire, 0)

    def drain(c, acc):
        sl = pl.ds(c * GATHER, GATHER)
        pltpu.make_async_copy(sht.at[av.at[sl]], tv.at[sl], sem_t).wait()

        def add(i, a):
            return a + tv[pl.ds(c * GATHER + i * L, L)]

        return lax.fori_loop(0, GATHER // L, add, acc)

    acc = lax.fori_loop(0, N_GATHERS, drain, jnp.zeros((L,), jnp.float32))
    accv[...] = acc
    pltpu.sync_copy(accv, out.at[wid])


def _final_body(part_ref, out_ref):
    out_ref[...] = jnp.sum(part_ref[...], keepdims=True) * (-1.0 / N_TOKENS)


def kernel(X, Y, table):
    avf = (X * VP + Y).reshape(-1)

    t2p = pl.pallas_call(
        _t2_body,
        out_shape=jax.ShapeDtypeStruct((V * VP // 128, 128), jnp.float32),
    )(table)
    t2f = t2p.reshape(-1)

    mesh = plsc.VectorSubcoreMesh(
        core_axis_name="c", subcore_axis_name="s", num_cores=NC, num_subcores=NS
    )
    partials = pl.kernel(
        _sc_body,
        out_type=jax.ShapeDtypeStruct((NW, L), jnp.float32),
        mesh=mesh,
        scratch_types=[
            pltpu.VMEM((CHUNK,), jnp.int32),
            pltpu.VMEM((CHUNK,), jnp.float32),
            pltpu.VMEM((L,), jnp.float32),
            pltpu.VMEM_SHARED((V * VP,), jnp.float32),
            pltpu.SemaphoreType.DMA,
            pltpu.SemaphoreType.DMA,
        ],
    )(avf, t2f)

    loss = pl.pallas_call(
        _final_body,
        out_shape=jax.ShapeDtypeStruct((1, 1), jnp.float32),
    )(partials)
    return loss[0, 0]

# --- scband reference (transcript-rebuilt; emitter-appended) ---
"""Pipeline reference for scband-bigram-language-model-80264348827883 (READ-ONLY COPY).

The authoritative reference and input builder live on the scoring server;
editing this copy changes nothing except your own understanding.
"""

import jax, jax.numpy as jnp
import numpy as np

VOCAB = 1000
B, T = 4096, 20


def setup_inputs(seed: int = 0) -> dict:
    key = jax.random.key(seed)
    k1, k2, k3 = jax.random.split(key, 3)
    X = jax.random.randint(k1, (B, T), 0, VOCAB, dtype=jnp.int32)
    Y = jax.random.randint(k2, (B, T), 0, VOCAB, dtype=jnp.int32)
    # nn.Embedding(vocab, vocab) default init: N(0, 1)
    table = jax.random.normal(k3, (VOCAB, VOCAB), dtype=jnp.float32)
    return {"X": X, "Y": Y, "table": table}


def reference(X, Y, table):
    # logits = embed(X): gather rows of the bigram table
    logits = jnp.take(table, X, axis=0)  # [B, T, V]
    logits2 = logits.reshape(-1, VOCAB)  # [B*T, V]
    y = Y.reshape(-1)  # [B*T]
    # cross_entropy with mean reduction (PyTorch default)
    logz = jax.scipy.special.logsumexp(logits2, axis=-1)  # [B*T]
    ll = jnp.take_along_axis(logits2, y[:, None], axis=1)[:, 0]  # [B*T]
    loss = jnp.mean(logz - ll)
    return loss

if __name__ == "__main__":
    import jax
    _d = setup_inputs()
    print(jax.jit(kernel)(*tuple(_d.values())))

</pallas_src>

<mosaic_0001>
#map = affine_map<(d0, d1) -> (0)>
#map1 = affine_map<(d0, d1) -> (0, 0)>
module attributes {stable_mosaic.version = 14 : i64} {
  func.func @_sc_body(%arg0: i32, %arg1: i32, %arg2: memref<81920xi32, #tpu.memory_space<hbm>>, %arg3: memref<1024000xf32, #tpu.memory_space<hbm>>, %arg4: memref<32x16xf32, #tpu.memory_space<hbm>>, %arg5: memref<2560xi32, #tpu.memory_space<vmem>>, %arg6: memref<2560xf32, #tpu.memory_space<vmem>>, %arg7: memref<16xf32, #tpu.memory_space<vmem>>, %arg8: memref<1024000xf32, #tpu.memory_space<vmem_shared>>, %arg9: memref<!tpu.dma_semaphore, #tpu.memory_space<semaphore_mem>>, %arg10: memref<!tpu.dma_semaphore, #tpu.memory_space<semaphore_mem>>) attributes {dimension_semantics = [#tpu.dimension_semantics<core_parallel>, #tpu.dimension_semantics<subcore_parallel>], iteration_bounds = array<i64: 2, 16>, scalar_prefetch = 0 : i64, scratch_operands = 6 : i64, tpu.core_type = #tpu.core_type<sc_vector_subcore>, window_params = [{transform_indices = #map}, {transform_indices = #map}, {transform_indices = #map1}]} {
    %mul3A = arith.constant 16 : i32
    %mul3A_0 = arith.muli %arg0, %mul3A : i32
    %add3A = arith.addi %mul3A_0, %arg1 : i32
    %mul3A_1 = arith.constant 2560 : i32
    %mul3A_2 = arith.muli %add3A, %mul3A_1 : i32
    %lt3A = arith.constant 4 : i32
    %lt3A_3 = arith.cmpi slt, %arg1, %lt3A : i32
    %convert_element_type3A = arith.extui %lt3A_3 : i1 to i32
    %cond3A = arith.constant 0 : i32
    %cond3A_4 = arith.cmpi ne, %convert_element_type3A, %cond3A : i32
    scf.if %cond3A_4 {
      %mul3A_25 = arith.constant 256000 : i32
      %mul3A_26 = arith.muli %arg1, %mul3A_25 : i32
      %dma_start3A = tpu.memref_slice %arg8[%mul3A_26] : memref<1024000xf32, #tpu.memory_space<vmem_shared>> -> memref<256000xf32, #tpu.memory_space<vmem_shared>>
      %dma_start3A_27 = tpu.memref_slice %arg3[%mul3A_26] : memref<1024000xf32, #tpu.memory_space<hbm>> -> memref<256000xf32, #tpu.memory_space<hbm>>
      tpu.enqueue_dma source(%dma_start3A_27 : memref<256000xf32, #tpu.memory_space<hbm>>) target(%dma_start3A : memref<256000xf32, #tpu.memory_space<vmem_shared>>) target_semaphore(%arg10 : memref<!tpu.dma_semaphore, #tpu.memory_space<semaphore_mem>>)
    } else {
    }
    "tpu.region"() ({
      %run_scoped3A = tpu.sem_alloc : memref<!tpu.dma_semaphore, #tpu.memory_space<semaphore_mem>>
      %dma_start3A = tpu.memref_slice %arg2[%mul3A_2] : memref<81920xi32, #tpu.memory_space<hbm>> -> memref<2560xi32, #tpu.memory_space<hbm>>
      %dma_start3A_25 = tpu.memref_slice %arg2[%mul3A_2] : memref<81920xi32, #tpu.memory_space<hbm>> -> memref<2560xi32, #tpu.memory_space<hbm>>
      tpu.enqueue_dma source(%dma_start3A_25 : memref<2560xi32, #tpu.memory_space<hbm>>) target(%arg5 : memref<2560xi32, #tpu.memory_space<vmem>>) target_semaphore(%run_scoped3A : memref<!tpu.dma_semaphore, #tpu.memory_space<semaphore_mem>>)
      %dma_wait3A = tpu.memref_slice %arg2[%mul3A_2] : memref<81920xi32, #tpu.memory_space<hbm>> -> memref<2560xi32, #tpu.memory_space<hbm>>
      %dma_wait3A_26 = tpu.memref_slice %arg2[%mul3A_2] : memref<81920xi32, #tpu.memory_space<hbm>> -> memref<2560xi32, #tpu.memory_space<hbm>>
      tpu.wait_dma2 semaphore(%run_scoped3A : memref<!tpu.dma_semaphore, #tpu.memory_space<semaphore_mem>>) src(%dma_wait3A_26 : memref<2560xi32, #tpu.memory_space<hbm>>) dst(%arg5 : memref<2560xi32, #tpu.memory_space<vmem>>)
      tpu.yield
    }) : () -> ()
    %lt3A_5 = arith.constant 4 : i32
    %lt3A_6 = arith.cmpi slt, %arg1, %lt3A_5 : i32
    %convert_element_type3A_7 = arith.extui %lt3A_6 : i1 to i32
    %cond3A_8 = arith.constant 0 : i32
    %cond3A_9 = arith.cmpi ne, %convert_element_type3A_7, %cond3A_8 : i32
    scf.if %cond3A_9 {
      %mul3A_25 = arith.constant 256000 : i32
      %mul3A_26 = arith.muli %arg1, %mul3A_25 : i32
      %dma_wait3A = tpu.memref_slice %arg8[%mul3A_26] : memref<1024000xf32, #tpu.memory_space<vmem_shared>> -> memref<256000xf32, #tpu.memory_space<vmem_shared>>
      %dma_wait3A_27 = tpu.memref_slice %arg3[%mul3A_26] : memref<1024000xf32, #tpu.memory_space<hbm>> -> memref<256000xf32, #tpu.memory_space<hbm>>
      tpu.wait_dma2 semaphore(%arg10 : memref<!tpu.dma_semaphore, #tpu.memory_space<semaphore_mem>>) src(%dma_wait3A_27 : memref<256000xf32, #tpu.memory_space<hbm>>) dst(%dma_wait3A : memref<256000xf32, #tpu.memory_space<vmem_shared>>)
    } else {
    }
    %barrier3A = arith.constant 0 : index
    tpu.barrier barrier_id(%barrier3A)
    %scan3A = arith.constant 0 : i32
    %scan3A_10 = arith.constant 0 : i32
    %scan3A_11 = arith.constant 20 : i32
    %scan3A_12 = arith.addi %scan3A_10, %scan3A_11 : i32
    %scan3A_13 = arith.constant 1 : i32
    scf.for %scan3A_25 = %scan3A_10 to %scan3A_12 step %scan3A_13  : i32 {
      %mul3A_26 = arith.constant 128 : i32
      %mul3A_27 = arith.muli %scan3A_25, %mul3A_26 : i32
      %dma_start3A = tpu.memref_slice %arg6[%mul3A_27] : memref<2560xf32, #tpu.memory_space<vmem>> -> memref<128xf32, #tpu.memory_space<vmem>>
      %dma_start3A_28 = tpu.memref_slice %arg5[%mul3A_27] : memref<2560xi32, #tpu.memory_space<vmem>> -> memref<128xi32, #tpu.memory_space<vmem>>
      %dma_start3A_29 = arith.constant 0 : i32
      %dma_start3A_30 = tpu.memref_slice %arg8[%dma_start3A_29] : memref<1024000xf32, #tpu.memory_space<vmem_shared>> -> memref<1024000xf32, #tpu.memory_space<vmem_shared>>
      tpu.enqueue_indirect_dma source(%dma_start3A_30 : memref<1024000xf32, #tpu.memory_space<vmem_shared>>) target(%dma_start3A : memref<128xf32, #tpu.memory_space<vmem>>) offsets(%dma_start3A_28 : memref<128xi32, #tpu.memory_space<vmem>>) semaphore(%arg9 : memref<!tpu.dma_semaphore, #tpu.memory_space<semaphore_mem>>)
    }
    %scan3A_14 = arith.constant 20 : i32
    %broadcast_in_dim3A = arith.constant 0.000000e+00 : f32
    %broadcast_in_dim3A_15 = vector.broadcast %broadcast_in_dim3A : f32 to vector<16xf32>
    %scan3A_16 = arith.constant 0 : i32
    %scan3A_17 = arith.constant 20 : i32
    %scan3A_18 = arith.addi %scan3A_16, %scan3A_17 : i32
    %scan3A_19 = arith.constant 1 : i32
    %scan3A_20 = scf.for %scan3A_25 = %scan3A_16 to %scan3A_18 step %scan3A_19 iter_args(%scan3A_26 = %broadcast_in_dim3A_15) -> (vector<16xf32>)  : i32 {
      %mul3A_27 = arith.constant 128 : i32
      %mul3A_28 = arith.muli %scan3A_25, %mul3A_27 : i32
      %dma_wait3A = tpu.memref_slice %arg6[%mul3A_28] : memref<2560xf32, #tpu.memory_space<vmem>> -> memref<128xf32, #tpu.memory_space<vmem>>
      %dma_wait3A_29 = tpu.memref_slice %arg5[%mul3A_28] : memref<2560xi32, #tpu.memory_space<vmem>> -> memref<128xi32, #tpu.memory_space<vmem>>
      %dma_wait3A_30 = arith.constant 0 : i32
      %dma_wait3A_31 = tpu.memref_slice %arg8[%dma_wait3A_30] : memref<1024000xf32, #tpu.memory_space<vmem_shared>> -> memref<1024000xf32, #tpu.memory_space<vmem_shared>>
      tpu.wait_indirect_dma semaphore(%arg9 : memref<!tpu.dma_semaphore, #tpu.memory_space<semaphore_mem>>) src(%dma_wait3A_31 : memref<1024000xf32, #tpu.memory_space<vmem_shared>>) dst(%dma_wait3A : memref<128xf32, #tpu.memory_space<vmem>>)
      %scan3A_32 = arith.constant 0 : i32
      %scan3A_33 = arith.constant 8 : i32
      %scan3A_34 = arith.addi %scan3A_32, %scan3A_33 : i32
      %scan3A_35 = arith.constant 1 : i32
      %scan3A_36 = scf.for %scan3A_38 = %scan3A_32 to %scan3A_34 step %scan3A_35 iter_args(%scan3A_39 = %scan3A_26) -> (vector<16xf32>)  : i32 {
        %mul3A_40 = arith.constant 128 : i32
        %mul3A_41 = arith.muli %scan3A_25, %mul3A_40 : i32
        %mul3A_42 = arith.constant 16 : i32
        %mul3A_43 = arith.muli %scan3A_38, %mul3A_42 : i32
        %add3A_44 = arith.addi %mul3A_41, %mul3A_43 : i32
        %get3A = arith.index_cast %add3A_44 : i32 to index
        %get3A_45 = tpu.vector_load %arg6[%get3A] {strides = array<i32>} : memref<2560xf32, #tpu.memory_space<vmem>>, vector<16xf32>,
        %get3A_46 = vector.shape_cast %get3A_45 : vector<16xf32> to vector<16xf32>
        %add3A_47 = arith.addf %scan3A_39, %get3A_46 : vector<16xf32>
        scf.yield %add3A_47 : vector<16xf32>
      }
      %scan3A_37 = arith.constant 8 : i32
      scf.yield %scan3A_36 : vector<16xf32>
    }
    %scan3A_21 = arith.constant 20 : i32
    %swap3A = arith.constant 0 : index
    %swap3A_22 = tpu.vector_load %arg7[%swap3A] {strides = array<i32>} : memref<16xf32, #tpu.memory_space<vmem>>, vector<16xf32>,
    %swap3A_23 = vector.shape_cast %swap3A_22 : vector<16xf32> to vector<16xf32>
    %swap3A_24 = vector.shape_cast %scan3A_20 : vector<16xf32> to vector<16xf32>
    tpu.vector_store %arg7[%swap3A], %swap3A_24 {strides = array<i32>} : memref<16xf32, #tpu.memory_space<vmem>>, vector<16xf32>,
    "tpu.region"() ({
      %run_scoped3A = tpu.sem_alloc : memref<!tpu.dma_semaphore, #tpu.memory_space<semaphore_mem>>
      %dma_start3A = arith.constant 0 : i32
      %dma_start3A_25 = tpu.memref_slice %arg4[%add3A, %dma_start3A] : memref<32x16xf32, #tpu.memory_space<hbm>> -> memref<1x16xf32, #tpu.memory_space<hbm>>
      %dma_start3A_26 = tpu.memref_squeeze %dma_start3A_25 : memref<1x16xf32, #tpu.memory_space<hbm>> -> memref<16xf32, #tpu.memory_space<hbm>>
      %dma_start3A_27 = arith.constant 0 : i32
      %dma_start3A_28 = tpu.memref_slice %arg4[%add3A, %dma_start3A_27] : memref<32x16xf32, #tpu.memory_space<hbm>> -> memref<1x16xf32, #tpu.memory_space<hbm>>
      %dma_start3A_29 = tpu.memref_squeeze %dma_start3A_28 : memref<1x16xf32, #tpu.memory_space<hbm>> -> memref<16xf32, #tpu.memory_space<hbm>>
      tpu.enqueue_dma source(%arg7 : memref<16xf32, #tpu.memory_space<vmem>>) target(%dma_start3A_29 : memref<16xf32, #tpu.memory_space<hbm>>) target_semaphore(%run_scoped3A : memref<!tpu.dma_semaphore, #tpu.memory_space<semaphore_mem>>)
      %dma_wait3A = arith.constant 0 : i32
      %dma_wait3A_30 = tpu.memref_slice %arg4[%add3A, %dma_wait3A] : memref<32x16xf32, #tpu.memory_space<hbm>> -> memref<1x16xf32, #tpu.memory_space<hbm>>
      %dma_wait3A_31 = tpu.memref_squeeze %dma_wait3A_30 : memref<1x16xf32, #tpu.memory_space<hbm>> -> memref<16xf32, #tpu.memory_space<hbm>>
      %dma_wait3A_32 = arith.constant 0 : i32
      %dma_wait3A_33 = tpu.memref_slice %arg4[%add3A, %dma_wait3A_32] : memref<32x16xf32, #tpu.memory_space<hbm>> -> memref<1x16xf32, #tpu.memory_space<hbm>>
      %dma_wait3A_34 = tpu.memref_squeeze %dma_wait3A_33 : memref<1x16xf32, #tpu.memory_space<hbm>> -> memref<16xf32, #tpu.memory_space<hbm>>
      tpu.wait_dma2 semaphore(%run_scoped3A : memref<!tpu.dma_semaphore, #tpu.memory_space<semaphore_mem>>) src(%arg7 : memref<16xf32, #tpu.memory_space<vmem>>) dst(%dma_wait3A_34 : memref<16xf32, #tpu.memory_space<hbm>>)
      tpu.yield
    }) : () -> ()
    return
  }
}

module attributes {stable_mosaic.version = 14 : i64} {
  func.func @_t2_body(%arg0: memref<1000x1000xf32, #tpu.memory_space<vmem>>, %arg1: memref<8000x128xf32, #tpu.memory_space<vmem>>) attributes {dimension_semantics = [], scalar_prefetch = 0 : i64, scratch_operands = 0 : i64, tpu.core_type = #tpu.core_type<tc>} {
    %get3A = arith.constant 0 : index
    %get3A_0 = arith.constant 0 : index
    %get3A_1 = vector.load %arg0[%get3A, %get3A_0] : memref<1000x1000xf32, #tpu.memory_space<vmem>>, vector<1000x1000xf32>
    %reduce_max3A = arith.constant dense<0xFF800000> : vector<1000xf32>
    %reduce_max3A_2 = vector.multi_reduction <maximumf>, %get3A_1, %reduce_max3A [1] : vector<1000x1000xf32> to vector<1000xf32>
    %broadcast_in_dim3A = vector.shape_cast %reduce_max3A_2 : vector<1000xf32> to vector<1000x1xf32>
    %sub3A = vector.broadcast %broadcast_in_dim3A : vector<1000x1xf32> to vector<1000x1000xf32>
    %sub3A_3 = arith.subf %get3A_1, %sub3A : vector<1000x1000xf32>
    %exp3A = math.exp %sub3A_3 : vector<1000x1000xf32>
    %reduce_sum3A = arith.constant dense<0.000000e+00> : vector<1000xf32>
    %reduce_sum3A_4 = vector.multi_reduction <add>, %exp3A, %reduce_sum3A [1] : vector<1000x1000xf32> to vector<1000xf32>
    %broadcast_in_dim3A_5 = vector.shape_cast %reduce_sum3A_4 : vector<1000xf32> to vector<1000x1xf32>
    %log3A = math.log %broadcast_in_dim3A_5 : vector<1000x1xf32>
    %add3A = arith.addf %log3A, %broadcast_in_dim3A : vector<1000x1xf32>
    %sub3A_6 = vector.broadcast %add3A : vector<1000x1xf32> to vector<1000x1000xf32>
    %sub3A_7 = arith.subf %get3A_1, %sub3A_6 : vector<1000x1000xf32>
    %broadcast_in_dim3A_8 = arith.constant 0.000000e+00 : f32
    %broadcast_in_dim3A_9 = vector.broadcast %broadcast_in_dim3A_8 : f32 to vector<1000x24xf32>
    %concatenate3A = tpu.concatenate %sub3A_7, %broadcast_in_dim3A_9 in 1 : vector<1000x1000xf32>, vector<1000x24xf32> -> vector<1000x1024xf32>
    %reshape3A = vector.shape_cast %concatenate3A : vector<1000x1024xf32> to vector<8000x128xf32>
    %swap3A = arith.constant 0 : index
    %swap3A_10 = arith.constant 0 : index
    %swap3A_11 = vector.load %arg1[%swap3A, %swap3A_10] : memref<8000x128xf32, #tpu.memory_space<vmem>>, vector<8000x128xf32>
    tpu.vector_store %arg1[%swap3A, %swap3A_10], %reshape3A {strides = array<i32>} : memref<8000x128xf32, #tpu.memory_space<vmem>>, vector<8000x128xf32>,
    return
  }
}

module attributes {stable_mosaic.version = 14 : i64} {
  func.func @_final_body(%arg0: memref<32x16xf32, #tpu.memory_space<vmem>>, %arg1: memref<1x1xf32, #tpu.memory_space<vmem>>) attributes {dimension_semantics = [], scalar_prefetch = 0 : i64, scratch_operands = 0 : i64, tpu.core_type = #tpu.core_type<tc>} {
    %get3A = arith.constant 0 : index
    %get3A_0 = arith.constant 0 : index
    %get3A_1 = vector.load %arg0[%get3A, %get3A_0] : memref<32x16xf32, #tpu.memory_space<vmem>>, vector<32x16xf32>
    %reduce_sum3A = vector.shape_cast %get3A_1 : vector<32x16xf32> to vector<1x32x16xf32>
    %reduce_sum3A_2 = arith.constant dense<0.000000e+00> : vector<1xf32>
    %reduce_sum3A_3 = vector.multi_reduction <add>, %reduce_sum3A, %reduce_sum3A_2 [1, 2] : vector<1x32x16xf32> to vector<1xf32>
    %reduce_sum3A_4 = vector.shape_cast %reduce_sum3A_3 : vector<1xf32> to vector<1x1x1xf32>
    %reduce_sum3A_5 = vector.extract %reduce_sum3A_4[0, 0, 0] : f32 from vector<1x1x1xf32>
    %broadcast_in_dim3A = vector.broadcast %reduce_sum3A_5 : f32 to vector<1x1xf32>
    %mul3A = arith.constant -1.22070314E-5 : f32
    %mul3A_6 = vector.broadcast %mul3A : f32 to vector<1x1xf32>
    %mul3A_7 = arith.mulf %broadcast_in_dim3A, %mul3A_6 : vector<1x1xf32>
    %swap3A = arith.constant 0 : index
    %swap3A_8 = arith.constant 0 : index
    %swap3A_9 = vector.load %arg1[%swap3A, %swap3A_8] : memref<1x1xf32, #tpu.memory_space<vmem>>, vector<1x1xf32>
    tpu.vector_store %arg1[%swap3A, %swap3A_8], %mul3A_7 {strides = array<i32>} : memref<1x1xf32, #tpu.memory_space<vmem>>, vector<1x1xf32>,
    return
  }
}

</mosaic_0001>

<sc_bundles>
// kernel: kernel.5.cloned.1.call-start
scs
__scs_entry_jumppad:
0x0: {  	(pc) =	sbr.rel $0x88, $3  }
0x1: {  	(tag) =	ssettag $0x0;
	lr =	simm.s32 $0x1  }
0x2: {  	[smem:$0x3F9E] =	sst lr;
	_ =	strace $0xD0000000  }
0x3: {  	_ = 	snop  }
0x4: {  	_ = 	snop  }
0x5: {  	_ = 	snop  }
0x6: {  	_ = 	snop  }
0x7: {  	_ = 	snop  }
__scs_overlays_trampoline_lowered:
0x8: {  	[smem:$0x3FAD] =	sst s0  }
0x9: {  	[smem:$0x3FAE] =	sst s1  }
0xa: {  	[smem:$0x3FAF] =	sst s2  }
0xb: {  	[smem:$0x3FB0] =	sst s3  }
0xc: {  	[smem:$0x3FB1] =	sst s4  }
0xd: {  	[smem:$0x3FB2] =	sst s5  }
0xe: {  	[smem:$0x3FB3] =	sst s6  }
0xf: {  	[smem:$0x3FB4] =	sst s7  }
0x10: {  	[smem:$0x3FB5] =	sst s8  }
0x11: {  	[smem:$0x3FB6] =	sst s9;
	s0 =	simm.s32 @!p0 $0x0  }
0x12: {  	s1 =	sld [smem:$0x3F9C];
	s0 =	simm.s32 @p0 $0x1  }
0x13: {  	[smem:$0x3FB7] =	sst s0;
	s0 =	simm.s32 @!p1 $0x0  }
0x14: {  	s2 =	sld [smem:$0x3F9B];
	s0 =	simm.s32 @p1 $0x1  }
0x15: {  	[smem:$0x3FB8] =	sst s0;
	s0 =	simm.s32 @!p2 $0x0  }
0x16: {  	s3 =	sld [smem:$0x3FDB];
	s0 =	simm.s32 @p2 $0x1  }
0x17: {  	s4 =	simm.s32 $0x1BF5;
	[smem:$0x3FBA] =	sst s0  }
0x18: {  	s0 =	sld [smem:$0x3F9D];
	_ =	swait.ge [sflag:s4], $0x0  }
0x19: {  	s7 =	sld [smem:$0x3F9E]  }
0x1a: {  	s8 =	sadd.s32 $0xFFFFE003, lr  }
0x1b: {  	s9 =	sadd.s32 $0xFFFFFEF7, lr;
	s5 =	simm.s32 $0xFFFFFFFF;
	p2 =	slt.u32 s8, $0xFFFFF086  }
0x1c: {  	p1 =	slt.u32 s9, $0xF7A;
	s5 =	simm.s32 @!p2 $0x0  }
0x1d: {  	s5 =	simm.s32 @p1 $0x1;
	p0 =	seq.s32 s7, s2  }
0x1e: {  	s7 =	smul.u32 @!p0 $0xF7A, s2;
	p2 =	seq.s32 @!p0 s5, $0x0  }
0x1f: {  	s9 =	smul.u32 $0xF7A, s1;
	s8 =	simm.s32 @!p0 $0x1BF5;
	p2 =	por !p2, p0  }
0x20: {  	[sflag:s8] =	ssyncset.s32 @!p0 $0xFFFFF086;
	s6 =	sadd.s32 @!p0 s3, s7;
	s7 =	simm.s32 @!p0 $0x108  }
0x21: {  	s3 =	sadd.s32 s3, s9;
	s6 =	sadd.s32 @!p0 $0x88, s6;
	s7 =	simm.s32 @p2 $0x1082  }
0x22: {  	[simem:s7], [sflag:s8] =	dma.local @!p0 [hbm:s6], $0xF7A  }
0x23: {  	s9 =	sor.u32 $0xD0000000, s2;
	s6 =	simm.s32 $0x108;
	_ =	swait.ge @!p0 [sflag:s8], $0x0  }
0x24: {  	s3 =	sadd.s32 $0x88, s3;
	s6 =	simm.s32 @!p1 $0x1082;
	[sflag:s4] =	ssyncset.s32 $0xFFFFF086  }
0x25: {  	[simem:s6], [sflag:s4] =	dma.local [hbm:s3], $0xF7A  }
0x26: {  	[smem:$0x3F9E] =	sst s1;
	(tag) =	ssettag s2;
	_ =	strace s9  }
0x27: {  	s1 =	sld [smem:$0x3FAE]  }
0x28: {  	s2 =	sld [smem:$0x3FAF]  }
0x29: {  	s4 =	sld [smem:$0x3FB1]  }
0x2a: {  	p0 =	seq.s32 s5, $0x0;
	s5 =	sld [smem:$0x3FB2]  }
0x2b: {  	s6 =	sld [smem:$0x3FB3]  }
0x2c: {  	s7 =	sld [smem:$0x3FB4]  }
0x2d: {  	s3 =	simm.s32 $0x108;
	s8 =	sld [smem:$0x3FB5]  }
0x2e: {  	s3 =	simm.s32 @!p0 $0x1082;
	s9 =	sld [smem:$0x3FB6]  }
0x2f: {  	lr =	sadd.s32 s0, s3;
	s0 =	sld [smem:$0x3FAD]  }
0x30: {  	s3 =	sld [smem:$0x3FB0]  }
0x31: {  	[smem:$0x3FB9] =	sst s10  }
0x32: {  	s10 =	sld [smem:$0x3FB7];
	_ =	sdelay $0x3  }
0x33: {  	p0 =	seq.s32 s10, $0x1;
	s10 =	sld [smem:$0x3FB9];
	_ =	sdelay $0x3  }
0x34: {  	[smem:$0x3FB9] =	sst s10  }
0x35: {  	s10 =	sld [smem:$0x3FB8];
	_ =	sdelay $0x3  }
0x36: {  	p1 =	seq.s32 s10, $0x1;
	s10 =	sld [smem:$0x3FB9];
	_ =	sdelay $0x3  }
0x37: {  	[smem:$0x3FB9] =	sst s10  }
0x38: {  	s10 =	sld [smem:$0x3FBA]  }
0x39: {  	_ = 	snop;
	(pc) =	sbr.ind lr, $3  }
0x3a: {  	_ = 	snop  }
0x3b: {  	_ = 	snop  }
0x3c: {  	p2 =	seq.s32 s10, $0x1;
	s10 =	sld [smem:$0x3FB9]  }
0x3d: {  	_ =	shalt  }
0x3e: {  	_ =	shalt  }
0x3f: {  	_ =	shalt  }
0x40: {  	_ =	shalt  }
0x41: {  	_ =	shalt  }
0x42: {  	_ =	shalt  }
0x43: {  	_ =	shalt  }
0x44: {  	_ =	shalt  }
0x45: {  	_ =	shalt  }
0x46: {  	_ =	shalt  }
0x47: {  	_ =	shalt  }
0x48: {  	_ =	shalt  }
0x49: {  	_ =	shalt  }
0x4a: {  	_ =	shalt  }
0x4b: {  	_ =	shalt  }
0x4c: {  	_ =	shalt  }
0x4d: {  	_ =	shalt  }
0x4e: {  	_ =	shalt  }
0x4f: {  	_ =	shalt  }
0x50: {  	_ =	shalt  }
0x51: {  	_ =	shalt  }
0x52: {  	_ =	shalt  }
0x53: {  	_ =	shalt  }
0x54: {  	_ =	shalt  }
0x55: {  	_ =	shalt  }
0x56: {  	_ =	shalt  }
0x57: {  	_ =	shalt  }
0x58: {  	_ =	shalt  }
0x59: {  	_ =	shalt  }
0x5a: {  	_ =	shalt  }
0x5b: {  	_ =	shalt  }
0x5c: {  	_ =	shalt  }
0x5d: {  	_ =	shalt  }
0x5e: {  	_ =	shalt  }
0x5f: {  	_ =	shalt  }
0x60: {  	_ =	shalt  }
0x61: {  	_ =	shalt  }
0x62: {  	_ =	shalt  }
0x63: {  	_ =	shalt  }
0x64: {  	_ =	shalt  }
0x65: {  	_ =	shalt  }
0x66: {  	_ =	shalt  }
0x67: {  	_ =	shalt  }
0x68: {  	_ =	shalt  }
0x69: {  	_ =	shalt  }
0x6a: {  	_ =	shalt  }
0x6b: {  	_ =	shalt  }
0x6c: {  	_ =	shalt  }
0x6d: {  	_ =	shalt  }
0x6e: {  	_ =	shalt  }
0x6f: {  	_ =	shalt  }
0x70: {  	_ =	shalt  }
0x71: {  	_ =	shalt  }
0x72: {  	_ =	shalt  }
0x73: {  	_ =	shalt  }
0x74: {  	_ =	shalt  }
0x75: {  	_ =	shalt  }
0x76: {  	_ =	shalt  }
0x77: {  	_ =	shalt  }
0x78: {  	_ =	shalt  }
0x79: {  	_ =	shalt  }
0x7a: {  	_ =	shalt  }
0x7b: {  	_ =	shalt  }
0x7c: {  	_ =	shalt  }
0x7d: {  	_ =	shalt  }
0x7e: {  	_ =	shalt  }
0x7f: {  	_ =	shalt  }
0x80: {  	_ =	shalt  }
0x81: {  	_ =	shalt  }
0x82: {  	_ =	shalt  }
0x83: {  	_ =	shalt  }
0x84: {  	_ =	shalt  }
0x85: {  	_ =	shalt  }
0x86: {  	_ =	shalt  }
0x87: {  	_ =	shalt  }
.Lfunc_end0:
.L_simem_size_0:
called_computation_lowered:
.L_overlay_start_0:
0x88: {  	s2 =	sld [smem:$0x3FD9]  }
0x89: {  	s3 =	sld [smem:$0x3FFE];
	_ =	sdelay $0x1  }
0x8a: {  	s1 =	srdreg.scid  }
0x8b: {  	s0 =	sand.u32 $0x1, s1  }
0x8c: {  	s16 =	sshll.u32 s0, $0xA;
	s2 =	sadd.s32 s3, s2  }
0x8d: {  	s2 =	sadd.s32 s2, s16  }
0x8e: {  	[smem:$0x3FC5] =	sst s2  }
0x8f: {  	_ = 	snop  }
0x90: {  	(tm) =	ssettm $0x1  }
0x91: {  	s17 =	sld [smem:$0x3FFB];
	_ =	sdelay $0x3  }
0x92: {  	_ =	strace s17  }
0x93: {  	s2 =	sld [smem:$0x3FFC];
	_ =	sdelay $0x3  }
0x94: {  	_ =	strace s2  }
0x95: {  	s2 =	sld [smem:$0x3FFD];
	_ =	sdelay $0x3  }
0x96: {  	_ =	strace s2  }
0x97: {  	_ =	strace $0x8FFFFFFF  }
0x98: {  	s18 =	sld [smem:$0x3FDB];
	_ =	sdelay $0x1  }
0x99: {  	s19 =	simm.s32 $_scs_section_size  }
0x9a: {  	s4 =	simm.s32 $_size__tile_overlayer_lowered;
	s5 =	simm.s32 $_tile_overlayer_lowered  }
0x9b: {  	s22 =	simm.s32 $0x1BFF;
	s21 =	sshll.u32 s5, $0x1;
	s2 =	sadd.s32 s19, s18  }
0x9c: {  	s6 =	simm.s32 $0x0;
	s20 =	sshll.u32 s4, $0x1;
	s4 =	sadd.s32 s21, s2  }
0x9d: {  	[timem:s6], [sflag:s22] =	dma.local [hbm:s4], s20  }
0x9e: {  	_ =	swait.ge [sflag:s22], s20  }
0x9f: {  	s3 =	ssub.s32 $0x0, s20;
	[sflag:s22] =	ssyncset.done $0x0  }
0xa0: {  	[sflag:s22] =	ssyncadd.s32 s3;
	_ =	sdelay $0x1  }
0xa1: {  	s23 =	simm.s32 $0x1B8B  }
0xa2: {  	_ =	swait.ge [sflag:s23], $0x1  }
0xa3: {  	[sflag:s23] =	ssyncset.done $0x0  }
0xa4: {  	s25 =	simm.s32 $0x1B8E;
	s24 =	sld [smem:$0x3FFE];
	[sflag:s23] =	ssyncadd.s32 $0xFFFFFFFF  }
0xa5: {  	s26 =	simm.s32 $execute0_lowered;
	[smem:$0x3FD2] =	sst s25  }
0xa6: {  	s4 =	sshll.u32 s26, $0x1;
	_ =	strace $0x80000046;
	[dreg:$0x1] =	wrdreg $0xFFFFFFFF  }
0xa7: {  	s28 =	simm.s32 $_size_execute0_lowered;
	s2 =	sadd.s32 s2, s4;
	[dreg:$0x0] =	wrdreg $0x0  }
0xa8: {  	s4 =	sshll.u32 s28, $0x1;
	[dreg:$0x2] =	wrdreg s2  }
0xa9: {  	[dreg:$0x3] =	wrdreg s4  }
0xaa: {  	[dreg:$0x4] =	wrdreg $0xC0  }
0xab: {  	_ =	task [dreg:s6], $0x5FFFF  }
0xac: {  	[dreg:$0x1] =	wrdreg $0xFFFFFFFF  }
0xad: {  	[dreg:$0x0] =	wrdreg $0x60  }
0xae: {  	[dreg:$0x2] =	wrdreg s24  }
0xaf: {  	[dreg:$0x3] =	wrdreg $0x14800  }
0xb0: {  	[dreg:$0x4] =	wrdreg $0x9  }
0xb1: {  	_ =	task.clear_ibuf [dreg:s6], $0x5FFFF;
	_ =	strace $0x90000046  }
0xb2: {  	s29 =	simm.s32 $0x9;
	_ =	strace $0x80000048  }
0xb3: {  	_ =	swait.ge [sflag:s29], $0x1  }
0xb4: {  	[sflag:s29] =	ssyncadd.s32 $0xFFFFFFFF  }
0xb5: {  	_ =	strace $0x90000048  }
0xb6: {  	_ =	sfence  }
0xb7: {  	s30 =	sld [smem:$0x0];
	_ =	sdelay $0x2  }
0xb8: {  	s31 =	sshll.u32 s1, $0xD;
	s1 =	sshrl.u32 s1, $0x2  }
0xb9: {  	s3 =	sand.u32 $0x4000, s31;
	s1 =	sadd.s32 s1, s30  }
0xba: {  	s0 =	sor.u32 s3, s0;
	s1 =	sshll.u32 s1, $0x11  }
0xbb: {  	s0 =	sor.u32 s1, s0  }
0xbc: {  	s0 =	sadd.s32 $0x8F2B, s0  }
0xbd: {  	[sflag:s0] =	ssyncadd.remote.s32 $0x1  }
0xbe: {  	_ =	sfence.sel $0xFFFF  }
0xbf: {  	[dreg:$0x0] =	wrdreg $0xFFFFFFFF;
	(pc) =	sbr.abs _section_cstart, $3  }
0xc0: {  	[dreg:$0x1] =	wrdreg $0xFFFFFFFF  }
0xc1: {  	_ =	task.clear_ibuf [dreg:s6], $0x2FFFF;
	_ =	strace $0x9FFFFFFF  }
0xc2: {  	(tm) =	ssettm $0x7FFFFFFF  }
0xc3: {  	_ =	shalt  }
tec
execute0_lowered:
.L_overlay_start_1:
0x0: {  	(tag) =	ssettag $0x1  }
0x1: {  	s0 =	srdreg.scid;
	s1 =	rddreg [dreg:$0x0]  }
0x2: {  	s10 =	stileid.u32;
	s2 =	rddreg [dreg:$0x1];
	s11 =	simm.s32 $0x80  }
0x3: {  	s14 =	simm.s32 $0x1000;
	s15 =	simm.s32 $0x680;
	s16 =	simm.s32 $0x1080  }
0x4: {  	s17 =	simm.s32 $0x700;
	s18 =	simm.s32 $0x1100;
	s19 =	simm.s32 $0x780  }
0x5: {  	s20 =	simm.s32 $0x1180;
	s21 =	simm.s32 $0x800;
	s22 =	simm.s32 $0x1200  }
0x6: {  	s23 =	simm.s32 $0x880;
	s24 =	simm.s32 $0x1280;
	s28 =	simm.s32 $0x980  }
0x7: {  	s29 =	simm.s32 $0x1380;
	s30 =	simm.s32 $0x1;
	s31 =	simm.s32 $0x1400  }
0x8: {  	s0 =	sand.u32 $0x1, s0;
	s6 =	smul.u32 $0x3E800, s10;
	s8 =	sshll.u32 s10, $0x4  }
0x9: {  	p0 =	sgt.u32 s10, $0x3;
	s3 =	sshll.u32 s0, $0x4;
	s0 =	ssub.s32 $0x2, s0  }
0xa: {  	s8 =	sand.u32 $0x70, s8;
	s4 =	sor.u32 s10, s3;
	s3 =	simm.s32 $0x0  }
0xb: {  	s7 =	sshrl.u32 s6, $0x3;
	s9 =	sshrl.u32 s0, $0x1;
	s5 =	smul.u32 $0x140, s4  }
0xc: {  	[smem:$0x7FF] =	sst s3;
	s7 =	sadd.s32 s7, s1;
	s0 =	ssub.s32 s0, s9  }
0xd: {  	s25 =	sshll.u32 s4, $0x4;
	s9 =	sadd.s32 s6, s2;
	_ =	strace $0x80000047  }
0xe: {  	s4 =	sadd.s32 $0x3200, s7;
	s26 =	sand.u32 $0x180, s25;
	s7 =	smax.u32 s0, $0x1  }
0xf: {  	s0 =	sshll.u32 @!p0 s10, $0x6;
	s9 =	sshrl.u32 @!p0 s9, $0x3;
	s10 =	simm.s32 $0x3  }
0x10: {  	s25 =	simm.s32 $0x900;
	s5 =	sadd.s32 s5, s1;
	s1 =	sadd.s32 s8, s1  }
0x11: {  	s8 =	sor.u32 @!p0 $0x1C02, s0;
	s5 =	sadd.s32 $0xA00, s5;
	s1 =	sadd.s32 s26, s1  }
0x12: {  	s26 =	simm.s32 $0x1300;
	s6 =	sadd.s32 $0x22600, s1;
	s1 =	simm.s32 $0x0  }
.LBB2_1:
0x13: {  	[spmem:s9], [sflag:s8] =	dma.local @!p0 [hbm:s4], $0x7D00  }
0x14: {  	[tilespmem:s3], [sflag:$0x3] =	stream.linear.gather [hbm4b:s5+s3], $0xA00, $0x38;
	[tilespmem:$0x10E80] =	vst v63  }
0x15: {  	_ =	swait.ge [sflag:s10], $0xA00  }
0x16: {  	[sflag:s10] =	ssyncset.done $0x0  }
0x17: {  	s0 =	simm.s32 @!p0 $0x2;
	[sflag:s10] =	ssyncadd.s32 $0xFFFFF600  }
0x18: {  	_ =	swait.ge @!p0 [sflag:s0], $0x7D00  }
0x19: {  	[sflag:s0] =	ssyncset.done @!p0 $0x0  }
0x1a: {  	[sflag:s0] =	ssyncadd.s32 @!p0 $0xFFFF8300  }
0x1b: {  	s13 =	simm.s32 $0xA00;
	[bflag:$0x0] =	sbarrier.arrive $0xFFFF  }
0x1c: {  	[tilespmem:s13], [sflag:$0x1] =	stream.indirect.gather [spmem:s2], $0x1, s3, s11, $0xb8;
	[tilespmem:$0x10E80] =	vst v63  }
0x1d: {  	s12 =	simm.s32 $0xA80  }
0x1e: {  	[tilespmem:s12], [sflag:$0x1] =	stream.indirect.gather [spmem:s2], $0x1, s11, s11, $0xb8;
	[tilespmem:$0x10E80] =	vst v63  }
0x1f: {  	s13 =	simm.s32 $0x100;
	s12 =	simm.s32 $0xB00  }
0x20: {  	[tilespmem:s12], [sflag:$0x1] =	stream.indirect.gather [spmem:s2], $0x1, s13, s11, $0xb8;
	[tilespmem:$0x10E80] =	vst v63  }
0x21: {  	s12 =	simm.s32 $0x180;
	s13 =	simm.s32 $0xB80  }
0x22: {  	[tilespmem:s13], [sflag:$0x1] =	stream.indirect.gather [spmem:s2], $0x1, s12, s11, $0xb8;
	[tilespmem:$0x10E80] =	vst v63  }
0x23: {  	s12 =	simm.s32 $0x200;
	s13 =	simm.s32 $0xC00  }
0x24: {  	[tilespmem:s13], [sflag:$0x1] =	stream.indirect.gather [spmem:s2], $0x1, s12, s11, $0xb8;
	[tilespmem:$0x10E80] =	vst v63  }
0x25: {  	s12 =	simm.s32 $0x280;
	s13 =	simm.s32 $0xC80  }
0x26: {  	[tilespmem:s13], [sflag:$0x1] =	stream.indirect.gather [spmem:s2], $0x1, s12, s11, $0xb8;
	[tilespmem:$0x10E80] =	vst v63  }
0x27: {  	s12 =	simm.s32 $0x300;
	s13 =	simm.s32 $0xD00  }
0x28: {  	[tilespmem:s13], [sflag:$0x1] =	stream.indirect.gather [spmem:s2], $0x1, s12, s11, $0xb8;
	[tilespmem:$0x10E80] =	vst v63  }
0x29: {  	s12 =	simm.s32 $0x380;
	s13 =	simm.s32 $0xD80  }
0x2a: {  	[tilespmem:s13], [sflag:$0x1] =	stream.indirect.gather [spmem:s2], $0x1, s12, s11, $0xb8;
	[tilespmem:$0x10E80] =	vst v63  }
0x2b: {  	s12 =	simm.s32 $0x400;
	s13 =	simm.s32 $0xE00  }
0x2c: {  	[tilespmem:s13], [sflag:$0x1] =	stream.indirect.gather [spmem:s2], $0x1, s12, s11, $0xb8;
	[tilespmem:$0x10E80] =	vst v63  }
0x2d: {  	s12 =	simm.s32 $0x480;
	s13 =	simm.s32 $0xE80  }
0x2e: {  	[tilespmem:s13], [sflag:$0x1] =	stream.indirect.gather [spmem:s2], $0x1, s12, s11, $0xb8;
	[tilespmem:$0x10E80] =	vst v63  }
0x2f: {  	s12 =	simm.s32 $0x500;
	s13 =	simm.s32 $0xF00  }
0x30: {  	[tilespmem:s13], [sflag:$0x1] =	stream.indirect.gather [spmem:s2], $0x1, s12, s11, $0xb8;
	[tilespmem:$0x10E80] =	vst v63  }
0x31: {  	s12 =	simm.s32 $0x580;
	s13 =	simm.s32 $0xF80  }
0x32: {  	[tilespmem:s13], [sflag:$0x1] =	stream.indirect.gather [spmem:s2], $0x1, s12, s11, $0xb8;
	[tilespmem:$0x10E80] =	vst v63  }
0x33: {  	s12 =	simm.s32 $0x600  }
0x34: {  	[tilespmem:s14], [sflag:$0x1] =	stream.indirect.gather [spmem:s2], $0x1, s12, s11, $0xb8;
	[tilespmem:$0x10E80] =	vst v63  }
0x35: {  	_ = 	snop  }
0x36: {  	[tilespmem:s16], [sflag:$0x1] =	stream.indirect.gather [spmem:s2], $0x1, s15, s11, $0xb8;
	[tilespmem:$0x10E80] =	vst v63  }
0x37: {  	_ = 	snop  }
0x38: {  	[tilespmem:s18], [sflag:$0x1] =	stream.indirect.gather [spmem:s2], $0x1, s17, s11, $0xb8;
	[tilespmem:$0x10E80] =	vst v63  }
0x39: {  	_ = 	snop  }
0x3a: {  	[tilespmem:s20], [sflag:$0x1] =	stream.indirect.gather [spmem:s2], $0x1, s19, s11, $0xb8;
	[tilespmem:$0x10E80] =	vst v63  }
0x3b: {  	_ = 	snop  }
0x3c: {  	[tilespmem:s22], [sflag:$0x1] =	stream.indirect.gather [spmem:s2], $0x1, s21, s11, $0xb8;
	[tilespmem:$0x10E80] =	vst v63  }
0x3d: {  	_ = 	snop  }
0x3e: {  	[tilespmem:s24], [sflag:$0x1] =	stream.indirect.gather [spmem:s2], $0x1, s23, s11, $0xb8;
	[tilespmem:$0x10E80] =	vst v63  }
0x3f: {  	_ = 	snop  }
0x40: {  	[tilespmem:s26], [sflag:$0x1] =	stream.indirect.gather [spmem:s2], $0x1, s25, s11, $0xb8;
	[tilespmem:$0x10E80] =	vst v63  }
0x41: {  	_ = 	snop  }
0x42: {  	[tilespmem:s29], [sflag:$0x1] =	stream.indirect.gather [spmem:s2], $0x1, s28, s11, $0xb8;
	[tilespmem:$0x10E80] =	vst v63  }
0x43: {  	_ =	swait.ge [sflag:s30], $0x80  }
0x44: {  	[sflag:s30] =	ssyncset.done $0x0  }
0x45: {  	s13 =	simm.s32 $0x70;
	[sflag:s30] =	ssyncadd.s32 $0xFFFFFF80  }
0x46: {  	v0 =	vld [tilespmem:s13+$0x990];
	_ =	sdelay $0x1  }
0x47: {  	v1 =	vld [tilespmem:s13+$0x9A0];
	_ =	sdelay $0x1  }
0x48: {  	v2 =	vimm.f32 $0.0e+00;
	v3 =	vld [tilespmem:s13+$0x9B0]  }
0x49: {  	v0 =	vadd.f32 v0, v2  }
0x4a: {  	v2 =	vld [tilespmem:s13+$0x9C0]  }
0x4b: {  	v0 =	vadd.f32 v1, v0  }
0x4c: {  	v1 =	vld [tilespmem:s13+$0x9D0]  }
0x4d: {  	v3 =	vadd.f32 v3, v0  }
0x4e: {  	v4 =	vld [tilespmem:s13+$0x9E0]  }
0x4f: {  	v2 =	vadd.f32 v2, v3  }
0x50: {  	v5 =	vld [tilespmem:s13+$0x9F0]  }
0x51: {  	v0 =	vld [tilespmem:s13+$0xA00];
	_ =	swait.ge [sflag:s30], $0x80;
	v1 =	vadd.f32 v1, v2  }
0x52: {  	[sflag:s30] =	ssyncset.done $0x0  }
0x53: {  	s0 =	simm.s32 $0xF0;
	[sflag:s30] =	ssyncadd.s32 $0xFFFFFF80;
	v2 =	vadd.f32 v4, v1  }
0x54: {  	v3 =	vld [tilespmem:s0+$0x990]  }
0x55: {  	v1 =	vld [tilespmem:s0+$0x9A0];
	v4 =	vadd.f32 v5, v2  }
0x56: {  	s12 =	simm.s32 $0x5C0;
	v2 =	vld [tilespmem:s0+$0x9B0]  }
.LBB2_2:
0x57: {  	p1 =	sne.s32 s12, $0x27C0;
	v5 =	vld [tilespmem:s0+$0x9C0];
	v0 =	vadd.f32 v0, v4;
	s13 =	smov.u32 s12;
	s12 =	sadd.s32 $0x200, s12  }
0x58: {  	v4 =	vld [tilespmem:s0+$0x9D0]  }
0x59: {  	v0 =	vadd.f32 v3, v0;
	v3 =	vld [tilespmem:s0+$0x9E0]  }
0x5a: {  	v6 =	vld [tilespmem:s0+$0x9F0]  }
0x5b: {  	v1 =	vadd.f32 v1, v0;
	v0 =	vld [tilespmem:s0+$0xA00];
	_ =	sdelay $0x1  }
0x5c: {  	v1 =	vadd.f32 v2, v1;
	_ =	sdelay $0x1  }
0x5d: {  	v1 =	vadd.f32 v5, v1;
	_ =	sdelay $0x1  }
0x5e: {  	_ =	swait.ge [sflag:s30], $0x80;
	v1 =	vadd.f32 v4, v1  }
.Ltmp0:
0x5f: {  	[sflag:s30] =	ssyncset.done $0x0;
	(pc) =	sbr.rel @p1 .LBB2_2-.Ltmp0, $4  }
0x60: {  	s0 =	sshra.s32 s13, $0x2;
	[sflag:s30] =	ssyncadd.s32 $0xFFFFFF80;
	v2 =	vadd.f32 v3, v1  }
0x61: {  	v3 =	vld [tilespmem:s0+$0x990]  }
0x62: {  	v1 =	vld [tilespmem:s0+$0x9A0];
	v4 =	vadd.f32 v6, v2  }
0x63: {  	v2 =	vld [tilespmem:s0+$0x9B0]  }
0x64: {  	v0 =	vadd.f32 v0, v4;
	_ =	sdelay $0x1  }
0x65: {  	v0 =	vadd.f32 v3, v0  }
0x66: {  	v59 =	vld [tilespmem:s0+$0x9C0]  }
0x67: {  	v0 =	vadd.f32 v1, v0  }
0x68: {  	v60 =	vld [tilespmem:s0+$0x9D0]  }
0x69: {  	v0 =	vadd.f32 v2, v0  }
0x6a: {  	v61 =	vld [tilespmem:s0+$0x9E0]  }
0x6b: {  	v0 =	vadd.f32 v59, v0  }
0x6c: {  	v62 =	vld [tilespmem:s0+$0x9F0]  }
0x6d: {  	v0 =	vadd.f32 v60, v0  }
0x6e: {  	v63 =	vld [tilespmem:s0+$0xA00]  }
0x6f: {  	v0 =	vadd.f32 v61, v0;
	_ =	sdelay $0x1  }
0x70: {  	v0 =	vadd.f32 v62, v0;
	_ =	sdelay $0x1  }
0x71: {  	s1 =	sadd.s32 $0x1, s1;
	v0 =	vadd.f32 v63, v0  }
0x72: {  	p1 =	sne.s32 s1, s7  }
.Ltmp1:
0x73: {  	[tilespmem:$0x1400] =	vst v0;
	(pc) =	sbr.rel @p1 .LBB2_1-.Ltmp1, $4  }
0x74: {  	[hbm4b:s6+s3] =	stream.linear.scatter [tilespmem:s31], [sflag:$0x3], $0x80, $0x38;
	[tilespmem:$0x10E80] =	vst v63  }
0x75: {  	_ =	swait.ge [sflag:s10], $0x80  }
0x76: {  	[sflag:s10] =	ssyncset.done $0x0  }
0x77: {  	[sflag:s10] =	ssyncadd.s32 $0xFFFFFF80  }
0x78: {  	_ =	sfence.sel $0x180000  }
0x79: {  	[bflag:$0x0] =	sbarrier.arrive $0xFFFF  }
0x7a: {  	_ =	strace $0x90000047  }
0x7b: {  	s0 =	stileid.u32;
	[bflag:$0x2] =	sbarrier.arrive $0xFFFF  }
0x7c: {  	p0 =	sne.s32 s0, $0x0;
	s0 =	rddreg [dreg:$0x2]  }
0x7d: {  	s0 =	sadd.s32 @!p0 $0x100000, s0  }
0x7e: {  	[sflag:s0] =	ssyncadd.tile.s32 @!p0 $0x1;
	_ =	shalt  }
.Lfunc_end2:
_tile_overlayer_lowered:
.L_overlay_start_2:
0x7f: {  	(tag) =	ssettag $0x2  }
0x80: {  	s0 =	rddreg [dreg:$0x0];
	s2 =	stileid.u32  }
0x81: {  	s1 =	rddreg [dreg:$0x1];
	p0 =	sne.s32 s2, $0x0  }
0x82: {  	s3 =	rddreg [dreg:$0x2];
	[bflag:$0x3] =	sbarrier.arrive $0xFFFF;
	s2 =	simm.s32 @!p0 $0x1C03  }
0x83: {  	[timem:s3], [sflag:s2] =	dma.local @!p0 [hbm:s0], s1  }
0x84: {  	s0 =	simm.s32 @!p0 $0x3  }
0x85: {  	_ =	swait.ge @!p0 [sflag:s0], s1  }
0x86: {  	s1 =	ssub.s32 @!p0 $0x0, s1;
	[sflag:s0] =	ssyncset.done @!p0 $0x0  }
0x87: {  	[sflag:s0] =	ssyncadd.s32 @!p0 s1  }
0x88: {  	[bflag:$0x3] =	sbarrier.arrive $0xFFFF  }
0x89: {  	_ =	shalt  }

</sc_bundles>
